<compile_context>
chip_gen: v7x
topology: tpu7x:2x2x1
jax: 0.10.2.dev20260603
libtpu: 0.0.44.dev20260713+nightly
codegen_flags: <defaults>
</compile_context>

<pallas_src>
import functools

import jax
import jax.numpy as jnp
from jax import lax
from jax.experimental import pallas as pl
from jax.experimental.pallas import tpu as pltpu
from jax.experimental.pallas import tpu_sc as plsc

_N_NODES = 100000
_EMB = 128
_N_EDGES = 1600000
_NPAD = 100352
_NC, _NS = 2, 16
_NW = _NC * _NS
_EPT = _N_EDGES // _NW
_CHUNK = 3584
_CHUNKS = 14
_SLICE = _NPAD // _NS


def _sc_presence_flags(edge1d):
    mesh = plsc.VectorSubcoreMesh(core_axis_name="c", subcore_axis_name="s")

    @functools.partial(
        pl.kernel,
        out_type=jax.ShapeDtypeStruct((_NC, 2, _NPAD), jnp.int32),
        mesh=mesh,
        scratch_types=[
            pltpu.VMEM_SHARED((_NPAD,), jnp.int32),
            pltpu.VMEM_SHARED((_NPAD,), jnp.int32),
            pltpu.VMEM((_CHUNK,), jnp.int32),
            pltpu.VMEM((_CHUNK,), jnp.int32),
            pltpu.VMEM((_CHUNK,), jnp.int32),
            pltpu.VMEM((_CHUNK,), jnp.int32),
            pltpu.VMEM((_CHUNK,), jnp.int32),
            pltpu.VMEM((_SLICE,), jnp.int32),
            pltpu.SemaphoreType.DMA,
            pltpu.SemaphoreType.DMA,
        ],
    )
    def k(edge_hbm, out_hbm, out_fl, in_fl, idx_s0, idx_d0, idx_s1, idx_d1,
          ones_v, zeros_v, sem_st, sem_sc):
        cid = lax.axis_index("c")
        sid = lax.axis_index("s")
        wid = sid * _NC + cid

        def fill_ones(i, _):
            ones_v[pl.ds(i * 16, 16)] = jnp.ones((16,), jnp.int32)
            return 0

        lax.fori_loop(0, _CHUNK // 16, fill_ones, 0)

        def fill_zeros(i, _):
            zeros_v[pl.ds(i * 16, 16)] = jnp.zeros((16,), jnp.int32)
            return 0

        lax.fori_loop(0, _SLICE // 16, fill_zeros, 0)

        pltpu.sync_copy(zeros_v, out_fl.at[pl.ds(sid * _SLICE, _SLICE)])
        pltpu.sync_copy(zeros_v, in_fl.at[pl.ds(sid * _SLICE, _SLICE)])
        plsc.subcore_barrier()

        base0 = wid * _EPT

        def stage(ci, bs, bd):
            base = base0 + jnp.minimum(ci * _CHUNK, _EPT - _CHUNK)
            pltpu.async_copy(edge_hbm.at[pl.ds(base, _CHUNK)], bs, sem_st)
            pltpu.async_copy(edge_hbm.at[pl.ds(_N_EDGES + base, _CHUNK)], bd,
                             sem_st)

        def wait_stage(bs, bd):
            pltpu.make_async_copy(edge_hbm.at[pl.ds(0, _CHUNK)], bs, sem_st).wait()
            pltpu.make_async_copy(edge_hbm.at[pl.ds(0, _CHUNK)], bd, sem_st).wait()

        stage(0, idx_s0, idx_d0)

        def it_body(it, _):
            bufs = ((idx_s0, idx_d0, idx_s1, idx_d1),
                    (idx_s1, idx_d1, idx_s0, idx_d0))
            for b in range(2):
                bs, bd, ns, nd = bufs[b]
                ci = 2 * it + b
                wait_stage(bs, bd)
                stage(ci + 1, ns, nd)
                s1 = pltpu.async_copy(ones_v, out_fl.at[bs], sem_sc)
                s2 = pltpu.async_copy(ones_v, in_fl.at[bd], sem_sc)
                s1.wait()
                s2.wait()
            return 0

        lax.fori_loop(0, _CHUNKS // 2, it_body, 0)
        wait_stage(idx_s0, idx_d0)
        plsc.subcore_barrier()

        sl = pl.ds(sid * _SLICE, _SLICE)
        pltpu.sync_copy(out_fl.at[sl], out_hbm.at[cid, 0, sl])
        pltpu.sync_copy(in_fl.at[sl], out_hbm.at[cid, 1, sl])

    return k(edge1d)


_TC_B = 10000


def _tc_apply(flags_t, w, x2d):

    def body(f_ref, w_ref, x_ref, o_ref):
        f = f_ref[...].astype(jnp.int32)
        has_out = (f[:, 0:1] + f[:, 1:2]) > 0
        has_in = (f[:, 2:3] + f[:, 3:4]) > 0
        wv = w_ref[...]
        m = jnp.where(
            has_in,
            jnp.where(has_out, wv[2:3, :], wv[3:4, :]),
            jnp.where(has_out, wv[0:1, :], wv[1:2, :]))
        o_ref[...] = x_ref[...] * m

    return pl.pallas_call(
        body,
        grid=(_N_NODES // _TC_B,),
        in_specs=[
            pl.BlockSpec((_TC_B, 4), lambda i: (i, 0)),
            pl.BlockSpec((4, _EMB), lambda i: (0, 0)),
            pl.BlockSpec((_TC_B, _EMB), lambda i: (i, 0)),
        ],
        out_specs=pl.BlockSpec((_TC_B, _EMB), lambda i: (i, 0)),
        out_shape=jax.ShapeDtypeStruct((_N_NODES, _EMB), jnp.float32),
    )(flags_t, w, x2d)


def kernel(x, edge_index, mask_weights):
    edge1d = edge_index.astype(jnp.int32).reshape(2 * _N_EDGES)

    flags = _sc_presence_flags(edge1d)
    flags_t = (flags.astype(jnp.int8)
               .transpose(1, 0, 2).reshape(4, _NPAD)[:, :_N_NODES].T)

    out = _tc_apply(flags_t, mask_weights, x[0])
    return out.reshape(1, _N_NODES, _EMB)

# --- scband reference (transcript-rebuilt; emitter-appended) ---
"""Pipeline reference for scband-causal-weight-27925877358632 (READ-ONLY COPY).

The authoritative reference and input builder live on the scoring server;
editing this copy changes nothing except your own understanding.
"""

import jax, jax.numpy as jnp
import numpy as np

N_NODES = 100000
N_EDGES = 1600000
EMB_DIM = 128

def setup_inputs(seed: int = 0) -> dict:
    key = jax.random.key(seed)
    k1, k2 = jax.random.split(key)
    x = jax.random.normal(k1, (1, N_NODES, EMB_DIM), dtype=jnp.float32)
    edge_index = jax.random.randint(k2, (2, N_EDGES), 0, N_NODES, dtype=jnp.int64)
    # Learned params: 4 LearnableMaskLayer weights (init to ones, as in torch)
    mask_weights = jnp.ones((4, EMB_DIM), dtype=jnp.float32)
    return {"x": x, "edge_index": edge_index, "mask_weights": mask_weights}


def _node_classify(edge_index, n_nodes):
    # Echelon categories from in/out degree of the causal graph:
    # 0: in==0, out>0 (cause); 1: in==0, out==0 (orphan);
    # 2: in>0, out>0 (intermediate); 3: in>0, out==0 (effect)
    src = edge_index[0]
    dst = edge_index[1]
    out_deg = jnp.bincount(src, length=n_nodes)
    in_deg = jnp.bincount(dst, length=n_nodes)
    cat = jnp.where(
        (in_deg == 0) & (out_deg == 0), 1,
        jnp.where(
            (in_deg > 0) & (out_deg == 0), 3,
            jnp.where((in_deg == 0) & (out_deg > 0), 0, 2),
        ),
    )
    return cat


def reference(x, edge_index, mask_weights):
    n_nodes = x.shape[1]
    cat = _node_classify(edge_index, n_nodes)  # int [N]
    # gather per-node mask from the 4 learnable mask layers
    per_node_mask = jnp.take(mask_weights, cat, axis=0)  # [N, d]
    # x1 = zeros_like(x); x1[0, node, :] += weights[cat[node]] * x[0, node, :]
    x1 = jnp.zeros_like(x)
    x1 = x1.at[0].add(x[0] * per_node_mask)
    return x1

if __name__ == "__main__":
    import jax
    _d = setup_inputs()
    print(jax.jit(kernel)(*tuple(_d.values())))

</pallas_src>

<mosaic_0001>
#map = affine_map<(d0, d1) -> (0)>
#map1 = affine_map<(d0, d1) -> (0, 0, 0)>
module attributes {stable_mosaic.version = 14 : i64} {
  func.func @k(%arg0: i32, %arg1: i32, %arg2: memref<3200000xi32, #tpu.memory_space<hbm>>, %arg3: memref<2x2x100352xi32, #tpu.memory_space<hbm>>, %arg4: memref<100352xi32, #tpu.memory_space<vmem_shared>>, %arg5: memref<100352xi32, #tpu.memory_space<vmem_shared>>, %arg6: memref<3584xi32, #tpu.memory_space<vmem>>, %arg7: memref<3584xi32, #tpu.memory_space<vmem>>, %arg8: memref<3584xi32, #tpu.memory_space<vmem>>, %arg9: memref<3584xi32, #tpu.memory_space<vmem>>, %arg10: memref<3584xi32, #tpu.memory_space<vmem>>, %arg11: memref<6272xi32, #tpu.memory_space<vmem>>, %arg12: memref<!tpu.dma_semaphore, #tpu.memory_space<semaphore_mem>>, %arg13: memref<!tpu.dma_semaphore, #tpu.memory_space<semaphore_mem>>) attributes {dimension_semantics = [#tpu.dimension_semantics<core_parallel>, #tpu.dimension_semantics<subcore_parallel>], iteration_bounds = array<i64: 2, 16>, scalar_prefetch = 0 : i64, scratch_operands = 10 : i64, tpu.core_type = #tpu.core_type<sc_vector_subcore>, window_params = [{transform_indices = #map}, {transform_indices = #map1}]} {
    %mul3A = arith.constant 2 : i32
    %mul3A_0 = arith.muli %arg1, %mul3A : i32
    %add3A = arith.addi %mul3A_0, %arg0 : i32
    %scan3A = arith.constant 0 : i32
    %scan3A_1 = arith.constant 0 : i32
    %scan3A_2 = arith.constant 224 : i32
    %scan3A_3 = arith.addi %scan3A_1, %scan3A_2 : i32
    %scan3A_4 = arith.constant 1 : i32
    %scan3A_5 = scf.for %scan3A_46 = %scan3A_1 to %scan3A_3 step %scan3A_4 iter_args(%scan3A_47 = %scan3A) -> (i32)  : i32 {
      %broadcast_in_dim3A = arith.constant 1 : i32
      %broadcast_in_dim3A_48 = vector.broadcast %broadcast_in_dim3A : i32 to vector<16xi32>
      %mul3A_49 = arith.constant 16 : i32
      %mul3A_50 = arith.muli %scan3A_46, %mul3A_49 : i32
      %swap3A = arith.index_cast %mul3A_50 : i32 to index
      %swap3A_51 = tpu.vector_load %arg10[%swap3A] {strides = array<i32>} : memref<3584xi32, #tpu.memory_space<vmem>>, vector<16xi32>,
      %swap3A_52 = vector.shape_cast %swap3A_51 : vector<16xi32> to vector<16xi32>
      %swap3A_53 = vector.shape_cast %broadcast_in_dim3A_48 : vector<16xi32> to vector<16xi32>
      tpu.vector_store %arg10[%swap3A], %swap3A_53 {strides = array<i32>} : memref<3584xi32, #tpu.memory_space<vmem>>, vector<16xi32>,
      %scan3A_54 = arith.constant 0 : i32
      scf.yield %scan3A_54 : i32
    }
    %scan3A_6 = arith.constant 224 : i32
    %scan3A_7 = arith.constant 0 : i32
    %scan3A_8 = arith.constant 0 : i32
    %scan3A_9 = arith.constant 392 : i32
    %scan3A_10 = arith.addi %scan3A_8, %scan3A_9 : i32
    %scan3A_11 = arith.constant 1 : i32
    %scan3A_12 = scf.for %scan3A_46 = %scan3A_8 to %scan3A_10 step %scan3A_11 iter_args(%scan3A_47 = %scan3A_7) -> (i32)  : i32 {
      %broadcast_in_dim3A = arith.constant 0 : i32
      %broadcast_in_dim3A_48 = vector.broadcast %broadcast_in_dim3A : i32 to vector<16xi32>
      %mul3A_49 = arith.constant 16 : i32
      %mul3A_50 = arith.muli %scan3A_46, %mul3A_49 : i32
      %swap3A = arith.index_cast %mul3A_50 : i32 to index
      %swap3A_51 = tpu.vector_load %arg11[%swap3A] {strides = array<i32>} : memref<6272xi32, #tpu.memory_space<vmem>>, vector<16xi32>,
      %swap3A_52 = vector.shape_cast %swap3A_51 : vector<16xi32> to vector<16xi32>
      %swap3A_53 = vector.shape_cast %broadcast_in_dim3A_48 : vector<16xi32> to vector<16xi32>
      tpu.vector_store %arg11[%swap3A], %swap3A_53 {strides = array<i32>} : memref<6272xi32, #tpu.memory_space<vmem>>, vector<16xi32>,
      %scan3A_54 = arith.constant 0 : i32
      scf.yield %scan3A_54 : i32
    }
    %scan3A_13 = arith.constant 392 : i32
    %mul3A_14 = arith.constant 6272 : i32
    %mul3A_15 = arith.muli %arg1, %mul3A_14 : i32
    "tpu.region"() ({
      %run_scoped3A_46 = tpu.sem_alloc : memref<!tpu.dma_semaphore, #tpu.memory_space<semaphore_mem>>
      %dma_start3A_47 = tpu.memref_slice %arg4[%mul3A_15] : memref<100352xi32, #tpu.memory_space<vmem_shared>> -> memref<6272xi32, #tpu.memory_space<vmem_shared>>
      %dma_start3A_48 = tpu.memref_slice %arg4[%mul3A_15] : memref<100352xi32, #tpu.memory_space<vmem_shared>> -> memref<6272xi32, #tpu.memory_space<vmem_shared>>
      tpu.enqueue_dma source(%arg11 : memref<6272xi32, #tpu.memory_space<vmem>>) target(%dma_start3A_48 : memref<6272xi32, #tpu.memory_space<vmem_shared>>) target_semaphore(%run_scoped3A_46 : memref<!tpu.dma_semaphore, #tpu.memory_space<semaphore_mem>>)
      %dma_wait3A_49 = tpu.memref_slice %arg4[%mul3A_15] : memref<100352xi32, #tpu.memory_space<vmem_shared>> -> memref<6272xi32, #tpu.memory_space<vmem_shared>>
      %dma_wait3A_50 = tpu.memref_slice %arg4[%mul3A_15] : memref<100352xi32, #tpu.memory_space<vmem_shared>> -> memref<6272xi32, #tpu.memory_space<vmem_shared>>
      tpu.wait_dma2 semaphore(%run_scoped3A_46 : memref<!tpu.dma_semaphore, #tpu.memory_space<semaphore_mem>>) src(%arg11 : memref<6272xi32, #tpu.memory_space<vmem>>) dst(%dma_wait3A_50 : memref<6272xi32, #tpu.memory_space<vmem_shared>>)
      tpu.yield
    }) : () -> ()
    %mul3A_16 = arith.constant 6272 : i32
    %mul3A_17 = arith.muli %arg1, %mul3A_16 : i32
    "tpu.region"() ({
      %run_scoped3A_46 = tpu.sem_alloc : memref<!tpu.dma_semaphore, #tpu.memory_space<semaphore_mem>>
      %dma_start3A_47 = tpu.memref_slice %arg5[%mul3A_17] : memref<100352xi32, #tpu.memory_space<vmem_shared>> -> memref<6272xi32, #tpu.memory_space<vmem_shared>>
      %dma_start3A_48 = tpu.memref_slice %arg5[%mul3A_17] : memref<100352xi32, #tpu.memory_space<vmem_shared>> -> memref<6272xi32, #tpu.memory_space<vmem_shared>>
      tpu.enqueue_dma source(%arg11 : memref<6272xi32, #tpu.memory_space<vmem>>) target(%dma_start3A_48 : memref<6272xi32, #tpu.memory_space<vmem_shared>>) target_semaphore(%run_scoped3A_46 : memref<!tpu.dma_semaphore, #tpu.memory_space<semaphore_mem>>)
      %dma_wait3A_49 = tpu.memref_slice %arg5[%mul3A_17] : memref<100352xi32, #tpu.memory_space<vmem_shared>> -> memref<6272xi32, #tpu.memory_space<vmem_shared>>
      %dma_wait3A_50 = tpu.memref_slice %arg5[%mul3A_17] : memref<100352xi32, #tpu.memory_space<vmem_shared>> -> memref<6272xi32, #tpu.memory_space<vmem_shared>>
      tpu.wait_dma2 semaphore(%run_scoped3A_46 : memref<!tpu.dma_semaphore, #tpu.memory_space<semaphore_mem>>) src(%arg11 : memref<6272xi32, #tpu.memory_space<vmem>>) dst(%dma_wait3A_50 : memref<6272xi32, #tpu.memory_space<vmem_shared>>)
      tpu.yield
    }) : () -> ()
    %barrier3A = arith.constant 0 : index
    tpu.barrier barrier_id(%barrier3A)
    %mul3A_18 = arith.constant 50000 : i32
    %mul3A_19 = arith.muli %add3A, %mul3A_18 : i32
    %min3A = arith.constant 0 : i32
    %min3A_20 = arith.constant 46416 : i32
    %min3A_21 = arith.minsi %min3A, %min3A_20 : i32
    %add3A_22 = arith.addi %mul3A_19, %min3A_21 : i32
    %dma_start3A = tpu.memref_slice %arg2[%add3A_22] : memref<3200000xi32, #tpu.memory_space<hbm>> -> memref<3584xi32, #tpu.memory_space<hbm>>
    %dma_start3A_23 = tpu.memref_slice %arg2[%add3A_22] : memref<3200000xi32, #tpu.memory_space<hbm>> -> memref<3584xi32, #tpu.memory_space<hbm>>
    tpu.enqueue_dma source(%dma_start3A_23 : memref<3584xi32, #tpu.memory_space<hbm>>) target(%arg6 : memref<3584xi32, #tpu.memory_space<vmem>>) target_semaphore(%arg12 : memref<!tpu.dma_semaphore, #tpu.memory_space<semaphore_mem>>)
    %add3A_24 = arith.constant 1600000 : i32
    %add3A_25 = arith.addi %add3A_24, %add3A_22 : i32
    %dma_start3A_26 = tpu.memref_slice %arg2[%add3A_25] : memref<3200000xi32, #tpu.memory_space<hbm>> -> memref<3584xi32, #tpu.memory_space<hbm>>
    %dma_start3A_27 = tpu.memref_slice %arg2[%add3A_25] : memref<3200000xi32, #tpu.memory_space<hbm>> -> memref<3584xi32, #tpu.memory_space<hbm>>
    tpu.enqueue_dma source(%dma_start3A_27 : memref<3584xi32, #tpu.memory_space<hbm>>) target(%arg7 : memref<3584xi32, #tpu.memory_space<vmem>>) target_semaphore(%arg12 : memref<!tpu.dma_semaphore, #tpu.memory_space<semaphore_mem>>)
    %scan3A_28 = arith.constant 0 : i32
    %scan3A_29 = arith.constant 0 : i32
    %scan3A_30 = arith.constant 7 : i32
    %scan3A_31 = arith.addi %scan3A_29, %scan3A_30 : i32
    %scan3A_32 = arith.constant 1 : i32
    %scan3A_33 = scf.for %scan3A_46 = %scan3A_29 to %scan3A_31 step %scan3A_32 iter_args(%scan3A_47 = %scan3A_28) -> (i32)  : i32 {
      %mul3A_48 = arith.constant 2 : i32
      %mul3A_49 = arith.muli %mul3A_48, %scan3A_46 : i32
      %add3A_50 = arith.constant 0 : i32
      %add3A_51 = arith.addi %mul3A_49, %add3A_50 : i32
      %dma_wait3A_52 = arith.constant 0 : i32
      %dma_wait3A_53 = tpu.memref_slice %arg2[%dma_wait3A_52] : memref<3200000xi32, #tpu.memory_space<hbm>> -> memref<3584xi32, #tpu.memory_space<hbm>>
      %dma_wait3A_54 = arith.constant 0 : i32
      %dma_wait3A_55 = tpu.memref_slice %arg2[%dma_wait3A_54] : memref<3200000xi32, #tpu.memory_space<hbm>> -> memref<3584xi32, #tpu.memory_space<hbm>>
      tpu.wait_dma2 semaphore(%arg12 : memref<!tpu.dma_semaphore, #tpu.memory_space<semaphore_mem>>) src(%dma_wait3A_55 : memref<3584xi32, #tpu.memory_space<hbm>>) dst(%arg6 : memref<3584xi32, #tpu.memory_space<vmem>>)
      %dma_wait3A_56 = arith.constant 0 : i32
      %dma_wait3A_57 = tpu.memref_slice %arg2[%dma_wait3A_56] : memref<3200000xi32, #tpu.memory_space<hbm>> -> memref<3584xi32, #tpu.memory_space<hbm>>
      %dma_wait3A_58 = arith.constant 0 : i32
      %dma_wait3A_59 = tpu.memref_slice %arg2[%dma_wait3A_58] : memref<3200000xi32, #tpu.memory_space<hbm>> -> memref<3584xi32, #tpu.memory_space<hbm>>
      tpu.wait_dma2 semaphore(%arg12 : memref<!tpu.dma_semaphore, #tpu.memory_space<semaphore_mem>>) src(%dma_wait3A_59 : memref<3584xi32, #tpu.memory_space<hbm>>) dst(%arg7 : memref<3584xi32, #tpu.memory_space<vmem>>)
      %add3A_60 = arith.constant 1 : i32
      %add3A_61 = arith.addi %add3A_51, %add3A_60 : i32
      %mul3A_62 = arith.constant 3584 : i32
      %mul3A_63 = arith.muli %add3A_61, %mul3A_62 : i32
      %min3A_64 = arith.constant 46416 : i32
      %min3A_65 = arith.minsi %mul3A_63, %min3A_64 : i32
      %add3A_66 = arith.addi %mul3A_19, %min3A_65 : i32
      %dma_start3A_67 = tpu.memref_slice %arg2[%add3A_66] : memref<3200000xi32, #tpu.memory_space<hbm>> -> memref<3584xi32, #tpu.memory_space<hbm>>
      %dma_start3A_68 = tpu.memref_slice %arg2[%add3A_66] : memref<3200000xi32, #tpu.memory_space<hbm>> -> memref<3584xi32, #tpu.memory_space<hbm>>
      tpu.enqueue_dma source(%dma_start3A_68 : memref<3584xi32, #tpu.memory_space<hbm>>) target(%arg8 : memref<3584xi32, #tpu.memory_space<vmem>>) target_semaphore(%arg12 : memref<!tpu.dma_semaphore, #tpu.memory_space<semaphore_mem>>)
      %add3A_69 = arith.constant 1600000 : i32
      %add3A_70 = arith.addi %add3A_69, %add3A_66 : i32
      %dma_start3A_71 = tpu.memref_slice %arg2[%add3A_70] : memref<3200000xi32, #tpu.memory_space<hbm>> -> memref<3584xi32, #tpu.memory_space<hbm>>
      %dma_start3A_72 = tpu.memref_slice %arg2[%add3A_70] : memref<3200000xi32, #tpu.memory_space<hbm>> -> memref<3584xi32, #tpu.memory_space<hbm>>
      tpu.enqueue_dma source(%dma_start3A_72 : memref<3584xi32, #tpu.memory_space<hbm>>) target(%arg9 : memref<3584xi32, #tpu.memory_space<vmem>>) target_semaphore(%arg12 : memref<!tpu.dma_semaphore, #tpu.memory_space<semaphore_mem>>)
      %dma_start3A_73 = arith.constant 0 : i32
      %dma_start3A_74 = tpu.memref_slice %arg4[%dma_start3A_73] : memref<100352xi32, #tpu.memory_space<vmem_shared>> -> memref<100352xi32, #tpu.memory_space<vmem_shared>>
      tpu.enqueue_indirect_dma source(%arg10 : memref<3584xi32, #tpu.memory_space<vmem>>) target(%dma_start3A_74 : memref<100352xi32, #tpu.memory_space<vmem_shared>>) offsets(%arg6 : memref<3584xi32, #tpu.memory_space<vmem>>) semaphore(%arg13 : memref<!tpu.dma_semaphore, #tpu.memory_space<semaphore_mem>>)
      %dma_start3A_75 = arith.constant 0 : i32
      %dma_start3A_76 = tpu.memref_slice %arg5[%dma_start3A_75] : memref<100352xi32, #tpu.memory_space<vmem_shared>> -> memref<100352xi32, #tpu.memory_space<vmem_shared>>
      tpu.enqueue_indirect_dma source(%arg10 : memref<3584xi32, #tpu.memory_space<vmem>>) target(%dma_start3A_76 : memref<100352xi32, #tpu.memory_space<vmem_shared>>) offsets(%arg7 : memref<3584xi32, #tpu.memory_space<vmem>>) semaphore(%arg13 : memref<!tpu.dma_semaphore, #tpu.memory_space<semaphore_mem>>)
      %dma_wait3A_77 = arith.constant 0 : i32
      %dma_wait3A_78 = tpu.memref_slice %arg4[%dma_wait3A_77] : memref<100352xi32, #tpu.memory_space<vmem_shared>> -> memref<100352xi32, #tpu.memory_space<vmem_shared>>
      tpu.wait_indirect_dma semaphore(%arg13 : memref<!tpu.dma_semaphore, #tpu.memory_space<semaphore_mem>>) src(%arg10 : memref<3584xi32, #tpu.memory_space<vmem>>) dst(%dma_wait3A_78 : memref<100352xi32, #tpu.memory_space<vmem_shared>>)
      %dma_wait3A_79 = arith.constant 0 : i32
      %dma_wait3A_80 = tpu.memref_slice %arg5[%dma_wait3A_79] : memref<100352xi32, #tpu.memory_space<vmem_shared>> -> memref<100352xi32, #tpu.memory_space<vmem_shared>>
      tpu.wait_indirect_dma semaphore(%arg13 : memref<!tpu.dma_semaphore, #tpu.memory_space<semaphore_mem>>) src(%arg10 : memref<3584xi32, #tpu.memory_space<vmem>>) dst(%dma_wait3A_80 : memref<100352xi32, #tpu.memory_space<vmem_shared>>)
      %mul3A_81 = arith.constant 2 : i32
      %mul3A_82 = arith.muli %mul3A_81, %scan3A_46 : i32
      %add3A_83 = arith.constant 1 : i32
      %add3A_84 = arith.addi %mul3A_82, %add3A_83 : i32
      %dma_wait3A_85 = arith.constant 0 : i32
      %dma_wait3A_86 = tpu.memref_slice %arg2[%dma_wait3A_85] : memref<3200000xi32, #tpu.memory_space<hbm>> -> memref<3584xi32, #tpu.memory_space<hbm>>
      %dma_wait3A_87 = arith.constant 0 : i32
      %dma_wait3A_88 = tpu.memref_slice %arg2[%dma_wait3A_87] : memref<3200000xi32, #tpu.memory_space<hbm>> -> memref<3584xi32, #tpu.memory_space<hbm>>
      tpu.wait_dma2 semaphore(%arg12 : memref<!tpu.dma_semaphore, #tpu.memory_space<semaphore_mem>>) src(%dma_wait3A_88 : memref<3584xi32, #tpu.memory_space<hbm>>) dst(%arg8 : memref<3584xi32, #tpu.memory_space<vmem>>)
      %dma_wait3A_89 = arith.constant 0 : i32
      %dma_wait3A_90 = tpu.memref_slice %arg2[%dma_wait3A_89] : memref<3200000xi32, #tpu.memory_space<hbm>> -> memref<3584xi32, #tpu.memory_space<hbm>>
      %dma_wait3A_91 = arith.constant 0 : i32
      %dma_wait3A_92 = tpu.memref_slice %arg2[%dma_wait3A_91] : memref<3200000xi32, #tpu.memory_space<hbm>> -> memref<3584xi32, #tpu.memory_space<hbm>>
      tpu.wait_dma2 semaphore(%arg12 : memref<!tpu.dma_semaphore, #tpu.memory_space<semaphore_mem>>) src(%dma_wait3A_92 : memref<3584xi32, #tpu.memory_space<hbm>>) dst(%arg9 : memref<3584xi32, #tpu.memory_space<vmem>>)
      %add3A_93 = arith.constant 1 : i32
      %add3A_94 = arith.addi %add3A_84, %add3A_93 : i32
      %mul3A_95 = arith.constant 3584 : i32
      %mul3A_96 = arith.muli %add3A_94, %mul3A_95 : i32
      %min3A_97 = arith.constant 46416 : i32
      %min3A_98 = arith.minsi %mul3A_96, %min3A_97 : i32
      %add3A_99 = arith.addi %mul3A_19, %min3A_98 : i32
      %dma_start3A_100 = tpu.memref_slice %arg2[%add3A_99] : memref<3200000xi32, #tpu.memory_space<hbm>> -> memref<3584xi32, #tpu.memory_space<hbm>>
      %dma_start3A_101 = tpu.memref_slice %arg2[%add3A_99] : memref<3200000xi32, #tpu.memory_space<hbm>> -> memref<3584xi32, #tpu.memory_space<hbm>>
      tpu.enqueue_dma source(%dma_start3A_101 : memref<3584xi32, #tpu.memory_space<hbm>>) target(%arg6 : memref<3584xi32, #tpu.memory_space<vmem>>) target_semaphore(%arg12 : memref<!tpu.dma_semaphore, #tpu.memory_space<semaphore_mem>>)
      %add3A_102 = arith.constant 1600000 : i32
      %add3A_103 = arith.addi %add3A_102, %add3A_99 : i32
      %dma_start3A_104 = tpu.memref_slice %arg2[%add3A_103] : memref<3200000xi32, #tpu.memory_space<hbm>> -> memref<3584xi32, #tpu.memory_space<hbm>>
      %dma_start3A_105 = tpu.memref_slice %arg2[%add3A_103] : memref<3200000xi32, #tpu.memory_space<hbm>> -> memref<3584xi32, #tpu.memory_space<hbm>>
      tpu.enqueue_dma source(%dma_start3A_105 : memref<3584xi32, #tpu.memory_space<hbm>>) target(%arg7 : memref<3584xi32, #tpu.memory_space<vmem>>) target_semaphore(%arg12 : memref<!tpu.dma_semaphore, #tpu.memory_space<semaphore_mem>>)
      %dma_start3A_106 = arith.constant 0 : i32
      %dma_start3A_107 = tpu.memref_slice %arg4[%dma_start3A_106] : memref<100352xi32, #tpu.memory_space<vmem_shared>> -> memref<100352xi32, #tpu.memory_space<vmem_shared>>
      tpu.enqueue_indirect_dma source(%arg10 : memref<3584xi32, #tpu.memory_space<vmem>>) target(%dma_start3A_107 : memref<100352xi32, #tpu.memory_space<vmem_shared>>) offsets(%arg8 : memref<3584xi32, #tpu.memory_space<vmem>>) semaphore(%arg13 : memref<!tpu.dma_semaphore, #tpu.memory_space<semaphore_mem>>)
      %dma_start3A_108 = arith.constant 0 : i32
      %dma_start3A_109 = tpu.memref_slice %arg5[%dma_start3A_108] : memref<100352xi32, #tpu.memory_space<vmem_shared>> -> memref<100352xi32, #tpu.memory_space<vmem_shared>>
      tpu.enqueue_indirect_dma source(%arg10 : memref<3584xi32, #tpu.memory_space<vmem>>) target(%dma_start3A_109 : memref<100352xi32, #tpu.memory_space<vmem_shared>>) offsets(%arg9 : memref<3584xi32, #tpu.memory_space<vmem>>) semaphore(%arg13 : memref<!tpu.dma_semaphore, #tpu.memory_space<semaphore_mem>>)
      %dma_wait3A_110 = arith.constant 0 : i32
      %dma_wait3A_111 = tpu.memref_slice %arg4[%dma_wait3A_110] : memref<100352xi32, #tpu.memory_space<vmem_shared>> -> memref<100352xi32, #tpu.memory_space<vmem_shared>>
      tpu.wait_indirect_dma semaphore(%arg13 : memref<!tpu.dma_semaphore, #tpu.memory_space<semaphore_mem>>) src(%arg10 : memref<3584xi32, #tpu.memory_space<vmem>>) dst(%dma_wait3A_111 : memref<100352xi32, #tpu.memory_space<vmem_shared>>)
      %dma_wait3A_112 = arith.constant 0 : i32
      %dma_wait3A_113 = tpu.memref_slice %arg5[%dma_wait3A_112] : memref<100352xi32, #tpu.memory_space<vmem_shared>> -> memref<100352xi32, #tpu.memory_space<vmem_shared>>
      tpu.wait_indirect_dma semaphore(%arg13 : memref<!tpu.dma_semaphore, #tpu.memory_space<semaphore_mem>>) src(%arg10 : memref<3584xi32, #tpu.memory_space<vmem>>) dst(%dma_wait3A_113 : memref<100352xi32, #tpu.memory_space<vmem_shared>>)
      %scan3A_114 = arith.constant 0 : i32
      scf.yield %scan3A_114 : i32
    }
    %scan3A_34 = arith.constant 7 : i32
    %dma_wait3A = arith.constant 0 : i32
    %dma_wait3A_35 = tpu.memref_slice %arg2[%dma_wait3A] : memref<3200000xi32, #tpu.memory_space<hbm>> -> memref<3584xi32, #tpu.memory_space<hbm>>
    %dma_wait3A_36 = arith.constant 0 : i32
    %dma_wait3A_37 = tpu.memref_slice %arg2[%dma_wait3A_36] : memref<3200000xi32, #tpu.memory_space<hbm>> -> memref<3584xi32, #tpu.memory_space<hbm>>
    tpu.wait_dma2 semaphore(%arg12 : memref<!tpu.dma_semaphore, #tpu.memory_space<semaphore_mem>>) src(%dma_wait3A_37 : memref<3584xi32, #tpu.memory_space<hbm>>) dst(%arg6 : memref<3584xi32, #tpu.memory_space<vmem>>)
    %dma_wait3A_38 = arith.constant 0 : i32
    %dma_wait3A_39 = tpu.memref_slice %arg2[%dma_wait3A_38] : memref<3200000xi32, #tpu.memory_space<hbm>> -> memref<3584xi32, #tpu.memory_space<hbm>>
    %dma_wait3A_40 = arith.constant 0 : i32
    %dma_wait3A_41 = tpu.memref_slice %arg2[%dma_wait3A_40] : memref<3200000xi32, #tpu.memory_space<hbm>> -> memref<3584xi32, #tpu.memory_space<hbm>>
    tpu.wait_dma2 semaphore(%arg12 : memref<!tpu.dma_semaphore, #tpu.memory_space<semaphore_mem>>) src(%dma_wait3A_41 : memref<3584xi32, #tpu.memory_space<hbm>>) dst(%arg7 : memref<3584xi32, #tpu.memory_space<vmem>>)
    %barrier3A_42 = arith.constant 0 : index
    tpu.barrier barrier_id(%barrier3A_42)
    %mul3A_43 = arith.constant 6272 : i32
    %mul3A_44 = arith.muli %arg1, %mul3A_43 : i32
    %run_scoped3A = arith.constant 0 : i32
    "tpu.region"() ({
      %run_scoped3A_46 = tpu.sem_alloc : memref<!tpu.dma_semaphore, #tpu.memory_space<semaphore_mem>>
      %dma_start3A_47 = tpu.memref_slice %arg3[%arg0, %run_scoped3A, %mul3A_44] : memref<2x2x100352xi32, #tpu.memory_space<hbm>> -> memref<1x1x6272xi32, #tpu.memory_space<hbm>>
      %dma_start3A_48 = tpu.memref_squeeze %dma_start3A_47 : memref<1x1x6272xi32, #tpu.memory_space<hbm>> -> memref<6272xi32, #tpu.memory_space<hbm>>
      %dma_start3A_49 = tpu.memref_slice %arg4[%mul3A_44] : memref<100352xi32, #tpu.memory_space<vmem_shared>> -> memref<6272xi32, #tpu.memory_space<vmem_shared>>
      tpu.enqueue_dma source(%dma_start3A_49 : memref<6272xi32, #tpu.memory_space<vmem_shared>>) target(%dma_start3A_48 : memref<6272xi32, #tpu.memory_space<hbm>>) target_semaphore(%run_scoped3A_46 : memref<!tpu.dma_semaphore, #tpu.memory_space<semaphore_mem>>)
      %dma_wait3A_50 = tpu.memref_slice %arg3[%arg0, %run_scoped3A, %mul3A_44] : memref<2x2x100352xi32, #tpu.memory_space<hbm>> -> memref<1x1x6272xi32, #tpu.memory_space<hbm>>
      %dma_wait3A_51 = tpu.memref_squeeze %dma_wait3A_50 : memref<1x1x6272xi32, #tpu.memory_space<hbm>> -> memref<6272xi32, #tpu.memory_space<hbm>>
      %dma_wait3A_52 = tpu.memref_slice %arg4[%mul3A_44] : memref<100352xi32, #tpu.memory_space<vmem_shared>> -> memref<6272xi32, #tpu.memory_space<vmem_shared>>
      tpu.wait_dma2 semaphore(%run_scoped3A_46 : memref<!tpu.dma_semaphore, #tpu.memory_space<semaphore_mem>>) src(%dma_wait3A_52 : memref<6272xi32, #tpu.memory_space<vmem_shared>>) dst(%dma_wait3A_51 : memref<6272xi32, #tpu.memory_space<hbm>>)
      tpu.yield
    }) : () -> ()
    %run_scoped3A_45 = arith.constant 1 : i32
    "tpu.region"() ({
      %run_scoped3A_46 = tpu.sem_alloc : memref<!tpu.dma_semaphore, #tpu.memory_space<semaphore_mem>>
      %dma_start3A_47 = tpu.memref_slice %arg3[%arg0, %run_scoped3A_45, %mul3A_44] : memref<2x2x100352xi32, #tpu.memory_space<hbm>> -> memref<1x1x6272xi32, #tpu.memory_space<hbm>>
      %dma_start3A_48 = tpu.memref_squeeze %dma_start3A_47 : memref<1x1x6272xi32, #tpu.memory_space<hbm>> -> memref<6272xi32, #tpu.memory_space<hbm>>
      %dma_start3A_49 = tpu.memref_slice %arg5[%mul3A_44] : memref<100352xi32, #tpu.memory_space<vmem_shared>> -> memref<6272xi32, #tpu.memory_space<vmem_shared>>
      tpu.enqueue_dma source(%dma_start3A_49 : memref<6272xi32, #tpu.memory_space<vmem_shared>>) target(%dma_start3A_48 : memref<6272xi32, #tpu.memory_space<hbm>>) target_semaphore(%run_scoped3A_46 : memref<!tpu.dma_semaphore, #tpu.memory_space<semaphore_mem>>)
      %dma_wait3A_50 = tpu.memref_slice %arg3[%arg0, %run_scoped3A_45, %mul3A_44] : memref<2x2x100352xi32, #tpu.memory_space<hbm>> -> memref<1x1x6272xi32, #tpu.memory_space<hbm>>
      %dma_wait3A_51 = tpu.memref_squeeze %dma_wait3A_50 : memref<1x1x6272xi32, #tpu.memory_space<hbm>> -> memref<6272xi32, #tpu.memory_space<hbm>>
      %dma_wait3A_52 = tpu.memref_slice %arg5[%mul3A_44] : memref<100352xi32, #tpu.memory_space<vmem_shared>> -> memref<6272xi32, #tpu.memory_space<vmem_shared>>
      tpu.wait_dma2 semaphore(%run_scoped3A_46 : memref<!tpu.dma_semaphore, #tpu.memory_space<semaphore_mem>>) src(%dma_wait3A_52 : memref<6272xi32, #tpu.memory_space<vmem_shared>>) dst(%dma_wait3A_51 : memref<6272xi32, #tpu.memory_space<hbm>>)
      tpu.yield
    }) : () -> ()
    return
  }
}

module attributes {stable_mosaic.version = 14 : i64} {
  func.func @body(%arg0: i32, %arg1: memref<10000x4xi8, #tpu.memory_space<vmem>>, %arg2: memref<4x128xf32, #tpu.memory_space<vmem>>, %arg3: memref<10000x128xf32, #tpu.memory_space<vmem>>, %arg4: memref<10000x128xf32, #tpu.memory_space<vmem>>) attributes {dimension_semantics = [#tpu.dimension_semantics<arbitrary>], iteration_bounds = array<i64: 10>, scalar_prefetch = 0 : i64, scratch_operands = 0 : i64, tpu.core_type = #tpu.core_type<tc>, window_params = [{transform_indices = @transform_0, window_bounds = array<i64: 10000, 4>}, {pipeline_mode = #tpu.pipeline_mode<synchronous>, transform_indices = @transform_1, window_bounds = array<i64: 4, 128>}, {transform_indices = @transform_2, window_bounds = array<i64: 10000, 128>}, {transform_indices = @transform_3, window_bounds = array<i64: 10000, 128>}]} {
    %get3A = arith.constant 0 : index
    %get3A_0 = arith.constant 0 : index
    %get3A_1 = vector.load %arg1[%get3A, %get3A_0] : memref<10000x4xi8, #tpu.memory_space<vmem>>, vector<10000x4xi8>
    %convert_element_type3A = arith.extsi %get3A_1 : vector<10000x4xi8> to vector<10000x4xi32>
    %slice3A = vector.extract_strided_slice %convert_element_type3A {offsets = [0, 0], sizes = [10000, 1], strides = [1, 1]} : vector<10000x4xi32> to vector<10000x1xi32>
    %slice3A_2 = vector.extract_strided_slice %convert_element_type3A {offsets = [0, 1], sizes = [10000, 1], strides = [1, 1]} : vector<10000x4xi32> to vector<10000x1xi32>
    %add3A = arith.addi %slice3A, %slice3A_2 : vector<10000x1xi32>
    %gt3A = arith.constant 0 : i32
    %gt3A_3 = vector.broadcast %gt3A : i32 to vector<10000x1xi32>
    %gt3A_4 = arith.cmpi sgt, %add3A, %gt3A_3 : vector<10000x1xi32>
    %slice3A_5 = vector.extract_strided_slice %convert_element_type3A {offsets = [0, 2], sizes = [10000, 1], strides = [1, 1]} : vector<10000x4xi32> to vector<10000x1xi32>
    %slice3A_6 = vector.extract_strided_slice %convert_element_type3A {offsets = [0, 3], sizes = [10000, 1], strides = [1, 1]} : vector<10000x4xi32> to vector<10000x1xi32>
    %add3A_7 = arith.addi %slice3A_5, %slice3A_6 : vector<10000x1xi32>
    %gt3A_8 = arith.constant 0 : i32
    %gt3A_9 = vector.broadcast %gt3A_8 : i32 to vector<10000x1xi32>
    %gt3A_10 = arith.cmpi sgt, %add3A_7, %gt3A_9 : vector<10000x1xi32>
    %get3A_11 = arith.constant 0 : index
    %get3A_12 = arith.constant 0 : index
    %get3A_13 = vector.load %arg2[%get3A_11, %get3A_12] : memref<4x128xf32, #tpu.memory_space<vmem>>, vector<4x128xf32>
    %slice3A_14 = vector.extract_strided_slice %get3A_13 {offsets = [2, 0], sizes = [1, 128], strides = [1, 1]} : vector<4x128xf32> to vector<1x128xf32>
    %slice3A_15 = vector.extract_strided_slice %get3A_13 {offsets = [3, 0], sizes = [1, 128], strides = [1, 1]} : vector<4x128xf32> to vector<1x128xf32>
    %broadcast_in_dim3A = vector.shape_cast %gt3A_4 : vector<10000x1xi1> to vector<10000x1xi1>
    %broadcast_in_dim3A_16 = vector.broadcast %broadcast_in_dim3A : vector<10000x1xi1> to vector<10000x128xi1>
    %broadcast_in_dim3A_17 = vector.shape_cast %slice3A_14 : vector<1x128xf32> to vector<1x128xf32>
    %broadcast_in_dim3A_18 = vector.broadcast %broadcast_in_dim3A_17 : vector<1x128xf32> to vector<10000x128xf32>
    %broadcast_in_dim3A_19 = vector.shape_cast %slice3A_15 : vector<1x128xf32> to vector<1x128xf32>
    %broadcast_in_dim3A_20 = vector.broadcast %broadcast_in_dim3A_19 : vector<1x128xf32> to vector<10000x128xf32>
    %select_n3A = arith.select %broadcast_in_dim3A_16, %broadcast_in_dim3A_18, %broadcast_in_dim3A_20 : vector<10000x128xi1>, vector<10000x128xf32>
    %slice3A_21 = vector.extract_strided_slice %get3A_13 {offsets = [0, 0], sizes = [1, 128], strides = [1, 1]} : vector<4x128xf32> to vector<1x128xf32>
    %slice3A_22 = vector.extract_strided_slice %get3A_13 {offsets = [1, 0], sizes = [1, 128], strides = [1, 1]} : vector<4x128xf32> to vector<1x128xf32>
    %broadcast_in_dim3A_23 = vector.shape_cast %gt3A_4 : vector<10000x1xi1> to vector<10000x1xi1>
    %broadcast_in_dim3A_24 = vector.broadcast %broadcast_in_dim3A_23 : vector<10000x1xi1> to vector<10000x128xi1>
    %broadcast_in_dim3A_25 = vector.shape_cast %slice3A_21 : vector<1x128xf32> to vector<1x128xf32>
    %broadcast_in_dim3A_26 = vector.broadcast %broadcast_in_dim3A_25 : vector<1x128xf32> to vector<10000x128xf32>
    %broadcast_in_dim3A_27 = vector.shape_cast %slice3A_22 : vector<1x128xf32> to vector<1x128xf32>
    %broadcast_in_dim3A_28 = vector.broadcast %broadcast_in_dim3A_27 : vector<1x128xf32> to vector<10000x128xf32>
    %select_n3A_29 = arith.select %broadcast_in_dim3A_24, %broadcast_in_dim3A_26, %broadcast_in_dim3A_28 : vector<10000x128xi1>, vector<10000x128xf32>
    %broadcast_in_dim3A_30 = vector.shape_cast %gt3A_10 : vector<10000x1xi1> to vector<10000x1xi1>
    %broadcast_in_dim3A_31 = vector.broadcast %broadcast_in_dim3A_30 : vector<10000x1xi1> to vector<10000x128xi1>
    %select_n3A_32 = arith.select %broadcast_in_dim3A_31, %select_n3A, %select_n3A_29 : vector<10000x128xi1>, vector<10000x128xf32>
    %get3A_33 = arith.constant 0 : index
    %get3A_34 = arith.constant 0 : index
    %get3A_35 = vector.load %arg3[%get3A_33, %get3A_34] : memref<10000x128xf32, #tpu.memory_space<vmem>>, vector<10000x128xf32>
    %mul3A = arith.mulf %get3A_35, %select_n3A_32 : vector<10000x128xf32>
    %swap3A = arith.constant 0 : index
    %swap3A_36 = arith.constant 0 : index
    %swap3A_37 = vector.load %arg4[%swap3A, %swap3A_36] : memref<10000x128xf32, #tpu.memory_space<vmem>>, vector<10000x128xf32>
    tpu.vector_store %arg4[%swap3A, %swap3A_36], %mul3A {strides = array<i32>} : memref<10000x128xf32, #tpu.memory_space<vmem>>, vector<10000x128xf32>,
    return
  }
  func.func @transform_0(%arg0: i32) -> (i32, i32) {
    %c0_i32 = arith.constant 0 : i32
    %c0_i32_0 = arith.constant 0 : i32
    return %arg0, %c0_i32 : i32, i32
  }
  func.func @transform_1(%arg0: i32) -> (i32, i32) {
    %c0_i32 = arith.constant 0 : i32
    %c0_i32_0 = arith.constant 0 : i32
    %c0_i32_1 = arith.constant 0 : i32
    return %c0_i32, %c0_i32_0 : i32, i32
  }
  func.func @transform_2(%arg0: i32) -> (i32, i32) {
    %c0_i32 = arith.constant 0 : i32
    %c0_i32_0 = arith.constant 0 : i32
    return %arg0, %c0_i32 : i32, i32
  }
  func.func @transform_3(%arg0: i32) -> (i32, i32) {
    %c0_i32 = arith.constant 0 : i32
    %c0_i32_0 = arith.constant 0 : i32
    return %arg0, %c0_i32 : i32, i32
  }
}

</mosaic_0001>

<sc_bundles>
// kernel: kernel.4.cloned.1.call-start
scs
__scs_entry_jumppad:
0x0: {  	(pc) =	sbr.rel $0x88, $3  }
0x1: {  	(tag) =	ssettag $0x0;
	lr =	simm.s32 $0x1  }
0x2: {  	[smem:$0x3F9E] =	sst lr;
	_ =	strace $0xD0000000  }
0x3: {  	_ = 	snop  }
0x4: {  	_ = 	snop  }
0x5: {  	_ = 	snop  }
0x6: {  	_ = 	snop  }
0x7: {  	_ = 	snop  }
__scs_overlays_trampoline_lowered:
0x8: {  	[smem:$0x3FAD] =	sst s0  }
0x9: {  	[smem:$0x3FAE] =	sst s1  }
0xa: {  	[smem:$0x3FAF] =	sst s2  }
0xb: {  	[smem:$0x3FB0] =	sst s3  }
0xc: {  	[smem:$0x3FB1] =	sst s4  }
0xd: {  	[smem:$0x3FB2] =	sst s5  }
0xe: {  	[smem:$0x3FB3] =	sst s6  }
0xf: {  	[smem:$0x3FB4] =	sst s7  }
0x10: {  	[smem:$0x3FB5] =	sst s8  }
0x11: {  	[smem:$0x3FB6] =	sst s9;
	s0 =	simm.s32 @!p0 $0x0  }
0x12: {  	s1 =	sld [smem:$0x3F9C];
	s0 =	simm.s32 @p0 $0x1  }
0x13: {  	[smem:$0x3FB7] =	sst s0;
	s0 =	simm.s32 @!p1 $0x0  }
0x14: {  	s2 =	sld [smem:$0x3F9B];
	s0 =	simm.s32 @p1 $0x1  }
0x15: {  	[smem:$0x3FB8] =	sst s0;
	s0 =	simm.s32 @!p2 $0x0  }
0x16: {  	s3 =	sld [smem:$0x3FDB];
	s0 =	simm.s32 @p2 $0x1  }
0x17: {  	s4 =	simm.s32 $0x1BF5;
	[smem:$0x3FBA] =	sst s0  }
0x18: {  	s0 =	sld [smem:$0x3F9D];
	_ =	swait.ge [sflag:s4], $0x0  }
0x19: {  	s7 =	sld [smem:$0x3F9E]  }
0x1a: {  	s8 =	sadd.s32 $0xFFFFE003, lr  }
0x1b: {  	s9 =	sadd.s32 $0xFFFFFEF7, lr;
	s5 =	simm.s32 $0xFFFFFFFF;
	p2 =	slt.u32 s8, $0xFFFFF086  }
0x1c: {  	p1 =	slt.u32 s9, $0xF7A;
	s5 =	simm.s32 @!p2 $0x0  }
0x1d: {  	s5 =	simm.s32 @p1 $0x1;
	p0 =	seq.s32 s7, s2  }
0x1e: {  	s7 =	smul.u32 @!p0 $0xF7A, s2;
	p2 =	seq.s32 @!p0 s5, $0x0  }
0x1f: {  	s9 =	smul.u32 $0xF7A, s1;
	s8 =	simm.s32 @!p0 $0x1BF5;
	p2 =	por !p2, p0  }
0x20: {  	[sflag:s8] =	ssyncset.s32 @!p0 $0xFFFFF086;
	s6 =	sadd.s32 @!p0 s3, s7;
	s7 =	simm.s32 @!p0 $0x108  }
0x21: {  	s3 =	sadd.s32 s3, s9;
	s6 =	sadd.s32 @!p0 $0x88, s6;
	s7 =	simm.s32 @p2 $0x1082  }
0x22: {  	[simem:s7], [sflag:s8] =	dma.local @!p0 [hbm:s6], $0xF7A  }
0x23: {  	s9 =	sor.u32 $0xD0000000, s2;
	s6 =	simm.s32 $0x108;
	_ =	swait.ge @!p0 [sflag:s8], $0x0  }
0x24: {  	s3 =	sadd.s32 $0x88, s3;
	s6 =	simm.s32 @!p1 $0x1082;
	[sflag:s4] =	ssyncset.s32 $0xFFFFF086  }
0x25: {  	[simem:s6], [sflag:s4] =	dma.local [hbm:s3], $0xF7A  }
0x26: {  	[smem:$0x3F9E] =	sst s1;
	(tag) =	ssettag s2;
	_ =	strace s9  }
0x27: {  	s1 =	sld [smem:$0x3FAE]  }
0x28: {  	s2 =	sld [smem:$0x3FAF]  }
0x29: {  	s4 =	sld [smem:$0x3FB1]  }
0x2a: {  	p0 =	seq.s32 s5, $0x0;
	s5 =	sld [smem:$0x3FB2]  }
0x2b: {  	s6 =	sld [smem:$0x3FB3]  }
0x2c: {  	s7 =	sld [smem:$0x3FB4]  }
0x2d: {  	s3 =	simm.s32 $0x108;
	s8 =	sld [smem:$0x3FB5]  }
0x2e: {  	s3 =	simm.s32 @!p0 $0x1082;
	s9 =	sld [smem:$0x3FB6]  }
0x2f: {  	lr =	sadd.s32 s0, s3;
	s0 =	sld [smem:$0x3FAD]  }
0x30: {  	s3 =	sld [smem:$0x3FB0]  }
0x31: {  	[smem:$0x3FB9] =	sst s10  }
0x32: {  	s10 =	sld [smem:$0x3FB7];
	_ =	sdelay $0x3  }
0x33: {  	p0 =	seq.s32 s10, $0x1;
	s10 =	sld [smem:$0x3FB9];
	_ =	sdelay $0x3  }
0x34: {  	[smem:$0x3FB9] =	sst s10  }
0x35: {  	s10 =	sld [smem:$0x3FB8];
	_ =	sdelay $0x3  }
0x36: {  	p1 =	seq.s32 s10, $0x1;
	s10 =	sld [smem:$0x3FB9];
	_ =	sdelay $0x3  }
0x37: {  	[smem:$0x3FB9] =	sst s10  }
0x38: {  	s10 =	sld [smem:$0x3FBA]  }
0x39: {  	_ = 	snop;
	(pc) =	sbr.ind lr, $3  }
0x3a: {  	_ = 	snop  }
0x3b: {  	_ = 	snop  }
0x3c: {  	p2 =	seq.s32 s10, $0x1;
	s10 =	sld [smem:$0x3FB9]  }
0x3d: {  	_ =	shalt  }
0x3e: {  	_ =	shalt  }
0x3f: {  	_ =	shalt  }
0x40: {  	_ =	shalt  }
0x41: {  	_ =	shalt  }
0x42: {  	_ =	shalt  }
0x43: {  	_ =	shalt  }
0x44: {  	_ =	shalt  }
0x45: {  	_ =	shalt  }
0x46: {  	_ =	shalt  }
0x47: {  	_ =	shalt  }
0x48: {  	_ =	shalt  }
0x49: {  	_ =	shalt  }
0x4a: {  	_ =	shalt  }
0x4b: {  	_ =	shalt  }
0x4c: {  	_ =	shalt  }
0x4d: {  	_ =	shalt  }
0x4e: {  	_ =	shalt  }
0x4f: {  	_ =	shalt  }
0x50: {  	_ =	shalt  }
0x51: {  	_ =	shalt  }
0x52: {  	_ =	shalt  }
0x53: {  	_ =	shalt  }
0x54: {  	_ =	shalt  }
0x55: {  	_ =	shalt  }
0x56: {  	_ =	shalt  }
0x57: {  	_ =	shalt  }
0x58: {  	_ =	shalt  }
0x59: {  	_ =	shalt  }
0x5a: {  	_ =	shalt  }
0x5b: {  	_ =	shalt  }
0x5c: {  	_ =	shalt  }
0x5d: {  	_ =	shalt  }
0x5e: {  	_ =	shalt  }
0x5f: {  	_ =	shalt  }
0x60: {  	_ =	shalt  }
0x61: {  	_ =	shalt  }
0x62: {  	_ =	shalt  }
0x63: {  	_ =	shalt  }
0x64: {  	_ =	shalt  }
0x65: {  	_ =	shalt  }
0x66: {  	_ =	shalt  }
0x67: {  	_ =	shalt  }
0x68: {  	_ =	shalt  }
0x69: {  	_ =	shalt  }
0x6a: {  	_ =	shalt  }
0x6b: {  	_ =	shalt  }
0x6c: {  	_ =	shalt  }
0x6d: {  	_ =	shalt  }
0x6e: {  	_ =	shalt  }
0x6f: {  	_ =	shalt  }
0x70: {  	_ =	shalt  }
0x71: {  	_ =	shalt  }
0x72: {  	_ =	shalt  }
0x73: {  	_ =	shalt  }
0x74: {  	_ =	shalt  }
0x75: {  	_ =	shalt  }
0x76: {  	_ =	shalt  }
0x77: {  	_ =	shalt  }
0x78: {  	_ =	shalt  }
0x79: {  	_ =	shalt  }
0x7a: {  	_ =	shalt  }
0x7b: {  	_ =	shalt  }
0x7c: {  	_ =	shalt  }
0x7d: {  	_ =	shalt  }
0x7e: {  	_ =	shalt  }
0x7f: {  	_ =	shalt  }
0x80: {  	_ =	shalt  }
0x81: {  	_ =	shalt  }
0x82: {  	_ =	shalt  }
0x83: {  	_ =	shalt  }
0x84: {  	_ =	shalt  }
0x85: {  	_ =	shalt  }
0x86: {  	_ =	shalt  }
0x87: {  	_ =	shalt  }
.Lfunc_end0:
.L_simem_size_0:
called_computation_lowered:
.L_overlay_start_0:
0x88: {  	s2 =	sld [smem:$0x3FD9]  }
0x89: {  	s3 =	sld [smem:$0x3FFE];
	_ =	sdelay $0x1  }
0x8a: {  	s1 =	srdreg.scid  }
0x8b: {  	s0 =	sand.u32 $0x1, s1  }
0x8c: {  	s17 =	sshll.u32 s0, $0xA;
	s2 =	sadd.s32 s3, s2  }
0x8d: {  	s2 =	sadd.s32 s2, s17  }
0x8e: {  	[smem:$0x3FC5] =	sst s2  }
0x8f: {  	_ = 	snop  }
0x90: {  	s2 =	sld [smem:$0x3FD0];
	(tm) =	ssettm $0x1  }
0x91: {  	s18 =	sld [smem:$0x3FFB];
	_ =	sdelay $0x3  }
0x92: {  	_ =	strace s18  }
0x93: {  	s3 =	sld [smem:$0x3FFC];
	_ =	sdelay $0x3  }
0x94: {  	_ =	strace s3  }
0x95: {  	s3 =	sld [smem:$0x3FFD];
	_ =	sdelay $0x3  }
0x96: {  	_ =	strace s3  }
0x97: {  	_ =	strace $0x8FFFFFFF  }
0x98: {  	s19 =	sld [smem:$0x3FDB];
	_ =	sdelay $0x1  }
0x99: {  	s4 =	simm.s32 $_scs_section_size  }
0x9a: {  	s5 =	simm.s32 $_size__tile_overlayer_lowered;
	s6 =	simm.s32 $_tile_overlayer_lowered  }
0x9b: {  	s22 =	simm.s32 $0x1BFF;
	s21 =	sshll.u32 s6, $0x1;
	s3 =	sadd.s32 s4, s19  }
0x9c: {  	s7 =	simm.s32 $0x0;
	s20 =	sshll.u32 s5, $0x1;
	s5 =	sadd.s32 s21, s3  }
0x9d: {  	[timem:s7], [sflag:s22] =	dma.local [hbm:s5], s20  }
0x9e: {  	_ =	swait.ge [sflag:s22], s20  }
0x9f: {  	s4 =	ssub.s32 $0x0, s20;
	[sflag:s22] =	ssyncset.done $0x0  }
0xa0: {  	[sflag:s22] =	ssyncadd.s32 s4;
	_ =	sdelay $0x1  }
0xa1: {  	s23 =	simm.s32 $0x1B8B  }
0xa2: {  	_ =	swait.ge [sflag:s23], $0x1  }
0xa3: {  	[sflag:s23] =	ssyncset.done $0x0  }
0xa4: {  	s25 =	simm.s32 $0x1B8E;
	s24 =	sld [smem:$0x3FFE];
	[sflag:s23] =	ssyncadd.s32 $0xFFFFFFFF  }
0xa5: {  	s26 =	simm.s32 $execute0_lowered;
	[smem:$0x3FD2] =	sst s25  }
0xa6: {  	s5 =	sshll.u32 s26, $0x1;
	_ =	strace $0x80000046;
	[dreg:$0x1] =	wrdreg $0xFFFFFFFF  }
0xa7: {  	s28 =	simm.s32 $_size_execute0_lowered;
	s3 =	sadd.s32 s3, s5;
	[dreg:$0x0] =	wrdreg $0x0  }
0xa8: {  	s5 =	sshll.u32 s28, $0x1;
	[dreg:$0x2] =	wrdreg s3  }
0xa9: {  	[dreg:$0x3] =	wrdreg s5  }
0xaa: {  	[dreg:$0x4] =	wrdreg $0xC0  }
0xab: {  	_ =	task [dreg:s7], $0x5FFFF  }
0xac: {  	[dreg:$0x1] =	wrdreg $0xFFFFFFFF  }
0xad: {  	[dreg:$0x0] =	wrdreg $0x60  }
0xae: {  	[dreg:$0x2] =	wrdreg s2  }
0xaf: {  	[dreg:$0x3] =	wrdreg s24  }
0xb0: {  	[dreg:$0x4] =	wrdreg $0x0  }
0xb1: {  	[dreg:$0x5] =	wrdreg $0x18800  }
0xb2: {  	[dreg:$0x6] =	wrdreg $0x9  }
0xb3: {  	_ =	task.clear_ibuf [dreg:s7], $0x7FFFF;
	_ =	strace $0x90000046  }
0xb4: {  	s29 =	simm.s32 $0x9;
	_ =	strace $0x80000048  }
0xb5: {  	_ =	swait.ge [sflag:s29], $0x1  }
0xb6: {  	[sflag:s29] =	ssyncadd.s32 $0xFFFFFFFF  }
0xb7: {  	_ =	strace $0x90000048  }
0xb8: {  	_ =	sfence  }
0xb9: {  	s30 =	sld [smem:$0x0];
	_ =	sdelay $0x2  }
0xba: {  	s31 =	sshll.u32 s1, $0xD;
	s1 =	sshrl.u32 s1, $0x2  }
0xbb: {  	s3 =	sand.u32 $0x4000, s31;
	s1 =	sadd.s32 s1, s30  }
0xbc: {  	s0 =	sor.u32 s3, s0;
	s1 =	sshll.u32 s1, $0x11  }
0xbd: {  	s0 =	sor.u32 s1, s0  }
0xbe: {  	s0 =	sadd.s32 $0x8F2B, s0  }
0xbf: {  	[sflag:s0] =	ssyncadd.remote.s32 $0x1  }
0xc0: {  	_ =	sfence.sel $0xFFFF  }
0xc1: {  	[dreg:$0x0] =	wrdreg $0xFFFFFFFF;
	(pc) =	sbr.abs _section_cstart, $3  }
0xc2: {  	[dreg:$0x1] =	wrdreg $0xFFFFFFFF  }
0xc3: {  	_ =	task.clear_ibuf [dreg:s7], $0x2FFFF;
	_ =	strace $0x9FFFFFFF  }
0xc4: {  	(tm) =	ssettm $0x7FFFFFFF  }
0xc5: {  	_ =	shalt  }
tec
execute0_lowered:
.L_overlay_start_1:
0x0: {  	(tag) =	ssettag $0x1  }
0x1: {  	s0 =	rddreg [dreg:$0x0]  }
0x2: {  	s1 =	rddreg [dreg:$0x1]  }
0x3: {  	s2 =	srdreg.scid;
	s3 =	rddreg [dreg:$0x2]  }
0x4: {  	s11 =	stileid.u32;
	s4 =	rddreg [dreg:$0x3];
	s5 =	simm.s32 $0x0  }
0x5: {  	s19 =	simm.s32 $0x7700;
	s20 =	simm.s32 $0x3;
	s28 =	simm.s32 $0x6900  }
0x6: {  	s29 =	simm.s32 $0x2;
	s30 =	simm.s32 $0x20;
	s7 =	smul.u32 $0x3100, s11  }
0x7: {  	s31 =	simm.s32 $0x10;
	s2 =	sand.u32 $0x1, s2;
	s9 =	smul.u32 $0x1880, s11  }
0x8: {  	[smem:$0x7FF] =	sst s5;
	s21 =	sshll.u32 s11, $0x1;
	s6 =	smul.u32 $0x31000, s2  }
0x9: {  	s14 =	smul.u32 $0x186A0, s11;
	s8 =	ssub.s32 $0x2, s2;
	_ =	strace $0x80000047  }
0xa: {  	s10 =	sshrl.u32 s8, $0x1;
	s6 =	sadd.s32 s7, s6;
	s7 =	sor.u32 s2, s21  }
0xb: {  	s12 =	ssub.s32 s8, s10;
	s2 =	smul.u32 $0xC350, s2;
	s21 =	simm.s32 $0x3100  }
0xc: {  	s6 =	sshrl.u32 s6, $0x3;
	s7 =	smul.u32 $0xC350, s7;
	s12 =	smax.u32 s12, $0x1  }
0xd: {  	s1 =	sadd.s32 s6, s1;
	s6 =	sadd.s32 s9, s3;
	s25 =	sadd.s32 s2, s14  }
0xe: {  	s22 =	sshrl.u32 s7, $0x3;
	s7 =	sadd.s32 s9, s4;
	s24 =	sadd.s32 $0x600, s1  }
0xf: {  	s1 =	sadd.s32 $0x610, s1;
	s9 =	sadd.s32 $0x1C00, s25;
	s2 =	sadd.s32 $0x188600, s25  }
0x10: {  	s15 =	sadd.s32 $0xE00, s25;
	s8 =	sadd.s32 s0, s22;
	[dreg:$0x6] =	wrdreg s24  }
0x11: {  	[dreg:$0x7] =	wrdreg s1;
	s2 =	sshrl.u32 s2, $0x3;
	s1 =	sadd.s32 $0x187800, s25  }
0x12: {  	s26 =	sshrl.u32 s15, $0x3;
	s22 =	simm.s32 $0x3F00;
	s24 =	simm.s32 $0x4D00  }
0x13: {  	s25 =	simm.s32 $0x5B00;
	s23 =	sadd.s32 $0x30D40, s8;
	s13 =	sadd.s32 $0x16AA, s8  }
0x14: {  	s14 =	sadd.s32 $0x323EA, s8;
	s16 =	sadd.s32 s2, s0;
	s1 =	sshrl.u32 s1, $0x3  }
0x15: {  	s17 =	sadd.s32 s26, s0;
	s26 =	simm.s32 $0xE00;
	s2 =	simm.s32 $0x0  }
0x16: {  	v0 =	vimm.s32 $0x1;
	v1 =	vimm.s32 $0x0;
	[dreg:$0x5] =	wrdreg s23;
	s18 =	sadd.s32 s1, s0;
	s23 =	simm.s32 $0x1  }
.LBB2_1:
0x17: {  	s1 =	simm.s32 $0x0  }
.LBB2_2:
0x18: {  	p0 =	sne.s32 s1, $0x37C0  }
.Ltmp0:
0x19: {  	_ = 	snop;
	(pc) =	sbr.rel @p0 .LBB2_2-.Ltmp0, $3  }
0x1a: {  	_ =	sdelay $0x1  }
0x1b: {  	s15 =	sshra.s32 s1, $0x2  }
0x1c: {  	s1 =	sadd.s32 $0x40, s1;
	[tilespmem:s15+$0x6900] =	vst v0  }
0x1d: {  	s1 =	simm.s32 $0x40;
	s15 =	simm.s32 $0x0  }
.LBB2_4:
0x1e: {  	p0 =	sne.s32 s1, $0x61C0;
	[tilespmem:s15+$0x7700] =	vst v1;
	s15 =	smov.u32 s1;
	s1 =	sadd.s32 $0x40, s1  }
.Ltmp1:
0x1f: {  	(pc) =	sbr.rel @p0 .LBB2_4-.Ltmp1, $2  }
0x20: {  	_ =	sdelay $0x2  }
0x21: {  	s15 =	sshra.s32 s15, $0x2  }
0x22: {  	[tilespmem:s15+$0x7700] =	vst v1  }
0x23: {  	[spmem:s6] =	stream.linear.scatter [tilespmem:s19], [sflag:$0x3], $0x1880, $0x38;
	[tilespmem:$0x8F80] =	vst v63  }
0x24: {  	_ =	swait.ge [sflag:s20], $0x1880  }
0x25: {  	[sflag:s20] =	ssyncset.done $0x0  }
0x26: {  	[sflag:s20] =	ssyncadd.s32 $0xFFFFE780  }
0x27: {  	[spmem:s7] =	stream.linear.scatter [tilespmem:s19], [sflag:$0x3], $0x1880, $0x38;
	[tilespmem:$0x8F80] =	vst v63  }
0x28: {  	_ =	swait.ge [sflag:s20], $0x1880  }
0x29: {  	[sflag:s20] =	ssyncset.done $0x0  }
0x2a: {  	[sflag:s20] =	ssyncadd.s32 $0xFFFFE780  }
0x2b: {  	s1 =	simm.s32 $0x0;
	[bflag:$0x0] =	sbarrier.arrive $0xFFFF  }
0x2c: {  	[tilespmem:s21], [sflag:$0x1] =	stream.linear.gather [hbm4b:s8+s1], $0xE00, $0x38;
	[tilespmem:$0x8F80] =	vst v63  }
0x2d: {  	s10 =	rddreg [dreg:$0x5]  }
0x2e: {  	[tilespmem:s22], [sflag:$0x1] =	stream.linear.gather [hbm4b:s10+s1], $0xE00, $0x38;
	[tilespmem:$0x8F80] =	vst v63  }
0x2f: {  	_ =	swait.ge [sflag:s23], $0xE00  }
0x30: {  	[sflag:s23] =	ssyncset.done $0x0  }
0x31: {  	[sflag:s23] =	ssyncadd.s32 $0xFFFFF200  }
0x32: {  	_ =	swait.ge [sflag:s23], $0xE00  }
0x33: {  	[sflag:s23] =	ssyncset.done $0x0  }
0x34: {  	s15 =	sadd.s32 $0x0, s17;
	[sflag:s23] =	ssyncadd.s32 $0xFFFFF200  }
0x35: {  	[tilespmem:s24], [sflag:$0x1] =	stream.linear.gather [hbm4b:s15+s5], $0xE00, $0x38;
	[tilespmem:$0x8F80] =	vst v63  }
0x36: {  	s10 =	sadd.s32 $0x0, s18  }
0x37: {  	[tilespmem:s25], [sflag:$0x1] =	stream.linear.gather [hbm4b:s10+s5], $0xE00, $0x38;
	[tilespmem:$0x8F80] =	vst v63  }
0x38: {  	_ = 	snop  }
0x39: {  	[spmem:s3] =	stream.indirect.scatter [tilespmem:s28], [sflag:$0x2], $0x1, s21, s26, $0xb8;
	[tilespmem:$0x8F80] =	vst v63  }
0x3a: {  	_ = 	snop  }
0x3b: {  	[spmem:s4] =	stream.indirect.scatter [tilespmem:s28], [sflag:$0x2], $0x1, s22, s26, $0xb8;
	[tilespmem:$0x8F80] =	vst v63  }
0x3c: {  	_ =	swait.ge [sflag:s29], $0xE00  }
0x3d: {  	[sflag:s29] =	ssyncset.done $0x0  }
0x3e: {  	[sflag:s29] =	ssyncadd.s32 $0xFFFFF200  }
0x3f: {  	_ =	swait.ge [sflag:s29], $0xE00  }
0x40: {  	[sflag:s29] =	ssyncset.done $0x0  }
0x41: {  	[sflag:s29] =	ssyncadd.s32 $0xFFFFF200  }
0x42: {  	_ =	swait.ge [sflag:s23], $0xE00  }
0x43: {  	[sflag:s23] =	ssyncset.done $0x0  }
0x44: {  	[sflag:s23] =	ssyncadd.s32 $0xFFFFF200  }
0x45: {  	_ =	swait.ge [sflag:s23], $0xE00  }
0x46: {  	s11 =	sshrl.u32 s9, $0x3;
	[sflag:s23] =	ssyncset.done $0x0  }
0x47: {  	s1 =	sadd.s32 s0, s11;
	[sflag:s23] =	ssyncadd.s32 $0xFFFFF200  }
0x48: {  	[tilespmem:s21], [sflag:$0x1] =	stream.linear.gather [hbm4b:s1+s5], $0xE00, $0x38;
	[tilespmem:$0x8F80] =	vst v63  }
0x49: {  	s15 =	sadd.s32 $0x0, s16  }
0x4a: {  	[tilespmem:s22], [sflag:$0x1] =	stream.linear.gather [hbm4b:s15+s5], $0xE00, $0x38;
	[tilespmem:$0x8F80] =	vst v63  }
0x4b: {  	_ = 	snop  }
0x4c: {  	[spmem:s3] =	stream.indirect.scatter [tilespmem:s28], [sflag:$0x2], $0x1, s24, s26, $0xb8;
	[tilespmem:$0x8F80] =	vst v63  }
0x4d: {  	_ = 	snop  }
0x4e: {  	[spmem:s4] =	stream.indirect.scatter [tilespmem:s28], [sflag:$0x2], $0x1, s25, s26, $0xb8;
	[tilespmem:$0x8F80] =	vst v63  }
0x4f: {  	_ =	swait.ge [sflag:s29], $0xE00  }
0x50: {  	[sflag:s29] =	ssyncset.done $0x0  }
0x51: {  	[sflag:s29] =	ssyncadd.s32 $0xFFFFF200  }
0x52: {  	_ =	swait.ge [sflag:s29], $0xE00  }
0x53: {  	s1 =	simm.s32 $0x380;
	s15 =	smov.u32 s9;
	[sflag:s29] =	ssyncset.done $0x0  }
.LBB2_6:
0x54: {  	p0 =	sne.s32 s1, $0x1180;
	[sflag:s29] =	ssyncadd.s32 $0xFFFFF200;
	s15 =	sadd.s32 $0x1C00, s15  }
0x55: {  	s10 =	smov.u32 s1;
	s1 =	sadd.s32 $0x380, s1;
	_ =	swait.ge [sflag:s23], $0xE00  }
0x56: {  	[sflag:s23] =	ssyncset.done $0x0  }
0x57: {  	[sflag:s23] =	ssyncadd.s32 $0xFFFFF200  }
0x58: {  	_ =	swait.ge [sflag:s23], $0xE00  }
0x59: {  	[sflag:s23] =	ssyncset.done $0x0  }
0x5a: {  	s11 =	sadd.s32 s10, s17;
	[sflag:s23] =	ssyncadd.s32 $0xFFFFF200  }
0x5b: {  	[tilespmem:s24], [sflag:$0x1] =	stream.linear.gather [hbm4b:s11+s5], $0xE00, $0x38;
	[tilespmem:$0x8F80] =	vst v63  }
0x5c: {  	s11 =	sadd.s32 s10, s18  }
0x5d: {  	[tilespmem:s25], [sflag:$0x1] =	stream.linear.gather [hbm4b:s11+s5], $0xE00, $0x38;
	[tilespmem:$0x8F80] =	vst v63  }
0x5e: {  	_ = 	snop  }
0x5f: {  	[spmem:s3] =	stream.indirect.scatter [tilespmem:s28], [sflag:$0x2], $0x1, s21, s26, $0xb8;
	[tilespmem:$0x8F80] =	vst v63  }
0x60: {  	_ = 	snop  }
0x61: {  	[spmem:s4] =	stream.indirect.scatter [tilespmem:s28], [sflag:$0x2], $0x1, s22, s26, $0xb8;
	[tilespmem:$0x8F80] =	vst v63  }
0x62: {  	_ =	swait.ge [sflag:s29], $0xE00  }
0x63: {  	[sflag:s29] =	ssyncset.done $0x0  }
0x64: {  	[sflag:s29] =	ssyncadd.s32 $0xFFFFF200  }
0x65: {  	_ =	swait.ge [sflag:s29], $0xE00  }
0x66: {  	[sflag:s29] =	ssyncset.done $0x0  }
0x67: {  	[sflag:s29] =	ssyncadd.s32 $0xFFFFF200  }
0x68: {  	_ =	swait.ge [sflag:s23], $0xE00  }
0x69: {  	[sflag:s23] =	ssyncset.done $0x0  }
0x6a: {  	[sflag:s23] =	ssyncadd.s32 $0xFFFFF200  }
0x6b: {  	_ =	swait.ge [sflag:s23], $0xE00  }
0x6c: {  	s11 =	sshrl.u32 s15, $0x3;
	[sflag:s23] =	ssyncset.done $0x0  }
0x6d: {  	s11 =	sadd.s32 s0, s11;
	[sflag:s23] =	ssyncadd.s32 $0xFFFFF200  }
0x6e: {  	[tilespmem:s21], [sflag:$0x1] =	stream.linear.gather [hbm4b:s11+s5], $0xE00, $0x38;
	[tilespmem:$0x8F80] =	vst v63  }
0x6f: {  	s10 =	sadd.s32 s10, s16  }
0x70: {  	[tilespmem:s22], [sflag:$0x1] =	stream.linear.gather [hbm4b:s10+s5], $0xE00, $0x38;
	[tilespmem:$0x8F80] =	vst v63  }
0x71: {  	_ = 	snop  }
0x72: {  	[spmem:s3] =	stream.indirect.scatter [tilespmem:s28], [sflag:$0x2], $0x1, s24, s26, $0xb8;
	[tilespmem:$0x8F80] =	vst v63  }
0x73: {  	_ = 	snop  }
0x74: {  	[spmem:s4] =	stream.indirect.scatter [tilespmem:s28], [sflag:$0x2], $0x1, s25, s26, $0xb8;
	[tilespmem:$0x8F80] =	vst v63  }
.Ltmp2:
0x75: {  	_ =	swait.ge [sflag:s29], $0xE00;
	(pc) =	sbr.rel @p0 .LBB2_6-.Ltmp2, $4  }
0x76: {  	[sflag:s29] =	ssyncset.done $0x0  }
0x77: {  	[sflag:s29] =	ssyncadd.s32 $0xFFFFF200  }
0x78: {  	_ =	swait.ge [sflag:s29], $0xE00  }
0x79: {  	[sflag:s29] =	ssyncset.done $0x0  }
0x7a: {  	[sflag:s29] =	ssyncadd.s32 $0xFFFFF200  }
0x7b: {  	_ =	swait.ge [sflag:s23], $0xE00  }
0x7c: {  	[sflag:s23] =	ssyncset.done $0x0  }
0x7d: {  	[sflag:s23] =	ssyncadd.s32 $0xFFFFF200  }
0x7e: {  	_ =	swait.ge [sflag:s23], $0xE00  }
0x7f: {  	[sflag:s23] =	ssyncset.done $0x0  }
0x80: {  	[sflag:s23] =	ssyncadd.s32 $0xFFFFF200  }
0x81: {  	[tilespmem:s24], [sflag:$0x1] =	stream.linear.gather [hbm4b:s13+s5], $0xE00, $0x38;
	[tilespmem:$0x8F80] =	vst v63  }
0x82: {  	_ = 	snop  }
0x83: {  	[tilespmem:s25], [sflag:$0x1] =	stream.linear.gather [hbm4b:s14+s5], $0xE00, $0x38;
	[tilespmem:$0x8F80] =	vst v63  }
0x84: {  	_ = 	snop  }
0x85: {  	[spmem:s3] =	stream.indirect.scatter [tilespmem:s28], [sflag:$0x2], $0x1, s21, s26, $0xb8;
	[tilespmem:$0x8F80] =	vst v63  }
0x86: {  	_ = 	snop  }
0x87: {  	[spmem:s4] =	stream.indirect.scatter [tilespmem:s28], [sflag:$0x2], $0x1, s22, s26, $0xb8;
	[tilespmem:$0x8F80] =	vst v63  }
0x88: {  	_ =	swait.ge [sflag:s29], $0xE00  }
0x89: {  	[sflag:s29] =	ssyncset.done $0x0  }
0x8a: {  	[sflag:s29] =	ssyncadd.s32 $0xFFFFF200  }
0x8b: {  	_ =	swait.ge [sflag:s29], $0xE00  }
0x8c: {  	[sflag:s29] =	ssyncset.done $0x0  }
0x8d: {  	[sflag:s29] =	ssyncadd.s32 $0xFFFFF200  }
0x8e: {  	_ =	swait.ge [sflag:s23], $0xE00  }
0x8f: {  	[sflag:s23] =	ssyncset.done $0x0  }
0x90: {  	[sflag:s23] =	ssyncadd.s32 $0xFFFFF200  }
0x91: {  	_ =	swait.ge [sflag:s23], $0xE00  }
0x92: {  	[sflag:s23] =	ssyncset.done $0x0  }
0x93: {  	[sflag:s23] =	ssyncadd.s32 $0xFFFFF200  }
0x94: {  	[tilespmem:s21], [sflag:$0x1] =	stream.linear.gather [hbm4b:s13+s5], $0xE00, $0x38;
	[tilespmem:$0x8F80] =	vst v63  }
0x95: {  	_ = 	snop  }
0x96: {  	[tilespmem:s22], [sflag:$0x1] =	stream.linear.gather [hbm4b:s14+s5], $0xE00, $0x38;
	[tilespmem:$0x8F80] =	vst v63  }
0x97: {  	_ = 	snop  }
0x98: {  	[spmem:s3] =	stream.indirect.scatter [tilespmem:s28], [sflag:$0x2], $0x1, s24, s26, $0xb8;
	[tilespmem:$0x8F80] =	vst v63  }
0x99: {  	_ = 	snop  }
0x9a: {  	[spmem:s4] =	stream.indirect.scatter [tilespmem:s28], [sflag:$0x2], $0x1, s25, s26, $0xb8;
	[tilespmem:$0x8F80] =	vst v63  }
0x9b: {  	_ =	swait.ge [sflag:s29], $0xE00  }
0x9c: {  	[sflag:s29] =	ssyncset.done $0x0  }
0x9d: {  	[sflag:s29] =	ssyncadd.s32 $0xFFFFF200  }
0x9e: {  	_ =	swait.ge [sflag:s29], $0xE00  }
0x9f: {  	[sflag:s29] =	ssyncset.done $0x0  }
0xa0: {  	[sflag:s29] =	ssyncadd.s32 $0xFFFFF200  }
0xa1: {  	_ =	swait.ge [sflag:s23], $0xE00  }
0xa2: {  	[sflag:s23] =	ssyncset.done $0x0  }
0xa3: {  	[sflag:s23] =	ssyncadd.s32 $0xFFFFF200  }
0xa4: {  	_ =	swait.ge [sflag:s23], $0xE00  }
0xa5: {  	[sflag:s23] =	ssyncset.done $0x0  }
0xa6: {  	s1 =	stileid.u32;
	[sflag:s23] =	ssyncadd.s32 $0xFFFFF200  }
0xa7: {  	s1 =	sshll.u32 s1, $0x6;
	[bflag:$0x0] =	sbarrier.arrive $0xFFFF  }
0xa8: {  	s10 =	sshrl.u32 s6, $0x3;
	s1 =	sor.u32 $0x1C03, s1;
	s11 =	rddreg [dreg:$0x6]  }
0xa9: {  	[hbm:s11@s30], [sflag:s1] =	dma.strided [spmem:s10@s31], $0x310, s23, $0x10   }
0xaa: {  	s2 =	sadd.s32 $0x1, s2;
	_ =	swait.ge [sflag:s20], $0x310  }
0xab: {  	p0 =	sne.s32 s2, s12;
	s11 =	sshrl.u32 s7, $0x3;
	[sflag:s20] =	ssyncset.done $0x0  }
.Ltmp3:
0xac: {  	s15 =	rddreg [dreg:$0x7];
	[sflag:s20] =	ssyncadd.s32 $0xFFFFFCF0;
	(pc) =	sbr.rel @p0 .LBB2_1-.Ltmp3, $4  }
0xad: {  	[hbm:s15@s30], [sflag:s1] =	dma.strided [spmem:s11@s31], $0x310, s23, $0x10   }
0xae: {  	_ =	swait.ge [sflag:s20], $0x310  }
0xaf: {  	[sflag:s20] =	ssyncset.done $0x0  }
0xb0: {  	[sflag:s20] =	ssyncadd.s32 $0xFFFFFCF0  }
0xb1: {  	_ =	sfence.sel $0x180000  }
0xb2: {  	[bflag:$0x0] =	sbarrier.arrive $0xFFFF  }
0xb3: {  	_ =	strace $0x90000047  }
0xb4: {  	s0 =	stileid.u32;
	[bflag:$0x2] =	sbarrier.arrive $0xFFFF  }
0xb5: {  	p0 =	sne.s32 s0, $0x0;
	s0 =	rddreg [dreg:$0x4]  }
0xb6: {  	s0 =	sadd.s32 @!p0 $0x100000, s0  }
0xb7: {  	[sflag:s0] =	ssyncadd.tile.s32 @!p0 $0x1;
	_ =	shalt  }
.Lfunc_end2:
_tile_overlayer_lowered:
.L_overlay_start_2:
0xb8: {  	(tag) =	ssettag $0x2  }
0xb9: {  	s0 =	rddreg [dreg:$0x0];
	s2 =	stileid.u32  }
0xba: {  	s1 =	rddreg [dreg:$0x1];
	p0 =	sne.s32 s2, $0x0  }
0xbb: {  	s3 =	rddreg [dreg:$0x2];
	[bflag:$0x3] =	sbarrier.arrive $0xFFFF;
	s2 =	simm.s32 @!p0 $0x1C03  }
0xbc: {  	[timem:s3], [sflag:s2] =	dma.local @!p0 [hbm:s0], s1  }
0xbd: {  	s0 =	simm.s32 @!p0 $0x3  }
0xbe: {  	_ =	swait.ge @!p0 [sflag:s0], s1  }
0xbf: {  	s1 =	ssub.s32 @!p0 $0x0, s1;
	[sflag:s0] =	ssyncset.done @!p0 $0x0  }
0xc0: {  	[sflag:s0] =	ssyncadd.s32 @!p0 s1  }
0xc1: {  	[bflag:$0x3] =	sbarrier.arrive $0xFFFF  }
0xc2: {  	_ =	shalt  }

</sc_bundles>
